<compile_context>
chip_gen: v7x
topology: tpu7x:2x2x1
jax: 0.10.2.dev20260603
libtpu: 0.0.44.dev20260713+nightly
codegen_flags: <defaults>
</compile_context>

<pallas_src>
import functools

import jax
import jax.numpy as jnp
from jax import lax
from jax.experimental import pallas as pl
from jax.experimental.pallas import tpu as pltpu
from jax.experimental.pallas import tpu_sc as plsc


def _make_sc_gather(V_u, V_i, B, D):
    info = plsc.get_sparse_core_info()
    nw = info.num_cores * info.num_subcores
    b_per_w = B // nw
    assert B % (8 * nw) == 0
    mesh = plsc.VectorSubcoreMesh(core_axis_name="c", subcore_axis_name="s")

    sub = b_per_w // 2

    @functools.partial(
        pl.kernel,
        mesh=mesh,
        out_type=[
            jax.ShapeDtypeStruct((B, D), jnp.float32),
            jax.ShapeDtypeStruct((B, D), jnp.float32),
        ],
        scratch_types=[
            pltpu.VMEM((sub,), jnp.int32),
            pltpu.VMEM((sub,), jnp.int32),
            pltpu.VMEM((sub,), jnp.int32),
            pltpu.VMEM((sub,), jnp.int32),
            pltpu.VMEM((sub, D), jnp.float32),
            pltpu.VMEM((sub, D), jnp.float32),
            pltpu.SemaphoreType.DMA,
            pltpu.SemaphoreType.DMA,
            pltpu.SemaphoreType.DMA,
        ],
    )
    def gather_k(
        u_table, i_table, u_idx, i_idx, u_out, i_out,
        iu0, iu1, ii0, ii1, rows_a, rows_b, gsem, wsem_a, wsem_b,
    ):
        wid = lax.axis_index("s") * info.num_cores + lax.axis_index("c")
        base = wid * b_per_w
        pltpu.sync_copy(u_idx.at[pl.ds(base, sub)], iu0)
        pltpu.sync_copy(u_idx.at[pl.ds(base + sub, sub)], iu1)
        pltpu.sync_copy(i_idx.at[pl.ds(base, sub)], ii0)
        pltpu.sync_copy(i_idx.at[pl.ds(base + sub, sub)], ii1)
        pltpu.async_copy(u_table.at[iu0], rows_a, gsem).wait()
        wb_a = pltpu.async_copy(rows_a, u_out.at[pl.ds(base, sub)], wsem_a)
        pltpu.async_copy(u_table.at[iu1], rows_b, gsem).wait()
        wb_b = pltpu.async_copy(rows_b, u_out.at[pl.ds(base + sub, sub)], wsem_b)
        wb_a.wait()
        pltpu.async_copy(i_table.at[ii0], rows_a, gsem).wait()
        wb_a = pltpu.async_copy(rows_a, i_out.at[pl.ds(base, sub)], wsem_a)
        wb_b.wait()
        pltpu.async_copy(i_table.at[ii1], rows_b, gsem).wait()
        wb_b = pltpu.async_copy(rows_b, i_out.at[pl.ds(base + sub, sub)], wsem_b)
        wb_a.wait()
        wb_b.wait()

    return gather_k


def _mlp_body(u_ref, i_ref, w1a_ref, w1b_ref, b1_ref, w2_ref, b2_ref, o_ref):
    u = u_ref[...].astype(jnp.bfloat16)
    i = i_ref[...].astype(jnp.bfloat16)
    w1a = w1a_ref[...].astype(jnp.bfloat16)
    w1b = w1b_ref[...].astype(jnp.bfloat16)
    h = jnp.dot(u, w1a, preferred_element_type=jnp.float32)
    h += jnp.dot(i, w1b, preferred_element_type=jnp.float32)
    h = jnp.maximum(h + b1_ref[...], 0.0)
    o_ref[...] = (
        jnp.dot(
            h.astype(jnp.bfloat16),
            w2_ref[...].astype(jnp.bfloat16),
            preferred_element_type=jnp.float32,
        )
        + b2_ref[...]
    )


def _mlp(u_emb, i_emb, W1a, W1b, b1, W2, b2, block_b=2048):
    B, D = u_emb.shape
    H = W1a.shape[1]
    return pl.pallas_call(
        _mlp_body,
        grid=(B // block_b,),
        in_specs=[
            pl.BlockSpec((block_b, D), lambda i: (i, 0)),
            pl.BlockSpec((block_b, D), lambda i: (i, 0)),
            pl.BlockSpec((D, H), lambda i: (0, 0)),
            pl.BlockSpec((D, H), lambda i: (0, 0)),
            pl.BlockSpec((1, H), lambda i: (0, 0)),
            pl.BlockSpec((H, D), lambda i: (0, 0)),
            pl.BlockSpec((1, D), lambda i: (0, 0)),
        ],
        out_specs=pl.BlockSpec((block_b, D), lambda i: (i, 0)),
        out_shape=jax.ShapeDtypeStruct((B, D), jnp.float32),
    )(u_emb, i_emb, W1a, W1b, b1.reshape(1, H), W2, b2.reshape(1, D))


def kernel(user, item, user_table, item_table, W1, b1, W2, b2):
    B = user.shape[0]
    V_u, D = user_table.shape
    V_i = item_table.shape[0]
    gather = _make_sc_gather(V_u, V_i, B, D)
    u_emb, i_emb = gather(
        user_table, item_table, user.astype(jnp.int32), item.astype(jnp.int32)
    )
    W1a = W1[:D]
    W1b = W1[D:]
    return u_emb

# --- scband reference (transcript-rebuilt; emitter-appended) ---
"""Pipeline reference for scband-mlp-26302379721295 (READ-ONLY COPY).

The authoritative reference and input builder live on the scoring server;
editing this copy changes nothing except your own understanding.
"""

import jax, jax.numpy as jnp
import numpy as np

NUM_USERS = 100000
NUM_ITEMS = 100000
EMBED = 128
HIDDEN = 128
BATCH = 16384


def setup_inputs(seed: int = 0) -> dict:
    key = jax.random.key(seed)
    k1, k2, k3, k4, k5, k6 = jax.random.split(key, 6)
    user = jax.random.randint(k1, (BATCH,), 0, NUM_USERS, dtype=jnp.int64 if jax.config.jax_enable_x64 else jnp.int32)
    item = jax.random.randint(k2, (BATCH,), 0, NUM_ITEMS, dtype=jnp.int64 if jax.config.jax_enable_x64 else jnp.int32)
    user_table = jax.random.normal(k3, (NUM_USERS, EMBED), dtype=jnp.float32)
    item_table = jax.random.normal(k4, (NUM_ITEMS, EMBED), dtype=jnp.float32)
    W1 = jax.random.normal(k5, (2 * EMBED, HIDDEN), dtype=jnp.float32) * (1.0 / np.sqrt(2 * EMBED))
    b1 = jnp.zeros((HIDDEN,), dtype=jnp.float32)
    W2 = jax.random.normal(k6, (HIDDEN, EMBED), dtype=jnp.float32) * (1.0 / np.sqrt(HIDDEN))
    b2 = jnp.zeros((EMBED,), dtype=jnp.float32)
    return {"user": user, "item": item, "user_table": user_table, "item_table": item_table,
            "W1": W1, "b1": b1, "W2": W2, "b2": b2}


def reference(user, item, user_table, item_table, W1, b1, W2, b2):
    user_embed = jnp.take(user_table, user, axis=0)
    item_embed = jnp.take(item_table, item, axis=0)
    concat_embed = jnp.concatenate([user_embed, item_embed], axis=-1)
    h = jnp.maximum(concat_embed @ W1 + b1, 0.0)
    out = h @ W2 + b2
    return out

if __name__ == "__main__":
    import jax
    _d = setup_inputs()
    print(jax.jit(kernel)(*tuple(_d.values())))

</pallas_src>

<mosaic_0001>
#map = affine_map<(d0, d1) -> (0, 0)>
#map1 = affine_map<(d0, d1) -> (0)>
module attributes {stable_mosaic.version = 14 : i64} {
  func.func @gather_k(%arg0: i32, %arg1: i32, %arg2: memref<100000x128xf32, #tpu.memory_space<hbm>>, %arg3: memref<100000x128xf32, #tpu.memory_space<hbm>>, %arg4: memref<16384xi32, #tpu.memory_space<hbm>>, %arg5: memref<16384xi32, #tpu.memory_space<hbm>>, %arg6: memref<16384x128xf32, #tpu.memory_space<hbm>>, %arg7: memref<16384x128xf32, #tpu.memory_space<hbm>>, %arg8: memref<256xi32, #tpu.memory_space<vmem>>, %arg9: memref<256xi32, #tpu.memory_space<vmem>>, %arg10: memref<256xi32, #tpu.memory_space<vmem>>, %arg11: memref<256xi32, #tpu.memory_space<vmem>>, %arg12: memref<256x128xf32, #tpu.memory_space<vmem>>, %arg13: memref<256x128xf32, #tpu.memory_space<vmem>>, %arg14: memref<!tpu.dma_semaphore, #tpu.memory_space<semaphore_mem>>, %arg15: memref<!tpu.dma_semaphore, #tpu.memory_space<semaphore_mem>>, %arg16: memref<!tpu.dma_semaphore, #tpu.memory_space<semaphore_mem>>) attributes {dimension_semantics = [#tpu.dimension_semantics<core_parallel>, #tpu.dimension_semantics<subcore_parallel>], iteration_bounds = array<i64: 2, 16>, scalar_prefetch = 0 : i64, scratch_operands = 9 : i64, tpu.core_type = #tpu.core_type<sc_vector_subcore>, window_params = [{transform_indices = #map}, {transform_indices = #map}, {transform_indices = #map1}, {transform_indices = #map1}, {transform_indices = #map}, {transform_indices = #map}]} {
    %mul3A = arith.constant 2 : i32
    %mul3A_0 = arith.muli %arg1, %mul3A : i32
    %add3A = arith.addi %mul3A_0, %arg0 : i32
    %mul3A_1 = arith.constant 512 : i32
    %mul3A_2 = arith.muli %add3A, %mul3A_1 : i32
    "tpu.region"() ({
      %run_scoped3A = tpu.sem_alloc : memref<!tpu.dma_semaphore, #tpu.memory_space<semaphore_mem>>
      %dma_start3A_65 = tpu.memref_slice %arg4[%mul3A_2] : memref<16384xi32, #tpu.memory_space<hbm>> -> memref<256xi32, #tpu.memory_space<hbm>>
      %dma_start3A_66 = tpu.memref_slice %arg4[%mul3A_2] : memref<16384xi32, #tpu.memory_space<hbm>> -> memref<256xi32, #tpu.memory_space<hbm>>
      tpu.enqueue_dma source(%dma_start3A_66 : memref<256xi32, #tpu.memory_space<hbm>>) target(%arg8 : memref<256xi32, #tpu.memory_space<vmem>>) target_semaphore(%run_scoped3A : memref<!tpu.dma_semaphore, #tpu.memory_space<semaphore_mem>>)
      %dma_wait3A_67 = tpu.memref_slice %arg4[%mul3A_2] : memref<16384xi32, #tpu.memory_space<hbm>> -> memref<256xi32, #tpu.memory_space<hbm>>
      %dma_wait3A_68 = tpu.memref_slice %arg4[%mul3A_2] : memref<16384xi32, #tpu.memory_space<hbm>> -> memref<256xi32, #tpu.memory_space<hbm>>
      tpu.wait_dma2 semaphore(%run_scoped3A : memref<!tpu.dma_semaphore, #tpu.memory_space<semaphore_mem>>) src(%dma_wait3A_68 : memref<256xi32, #tpu.memory_space<hbm>>) dst(%arg8 : memref<256xi32, #tpu.memory_space<vmem>>)
      tpu.yield
    }) : () -> ()
    %add3A_3 = arith.constant 256 : i32
    %add3A_4 = arith.addi %mul3A_2, %add3A_3 : i32
    "tpu.region"() ({
      %run_scoped3A = tpu.sem_alloc : memref<!tpu.dma_semaphore, #tpu.memory_space<semaphore_mem>>
      %dma_start3A_65 = tpu.memref_slice %arg4[%add3A_4] : memref<16384xi32, #tpu.memory_space<hbm>> -> memref<256xi32, #tpu.memory_space<hbm>>
      %dma_start3A_66 = tpu.memref_slice %arg4[%add3A_4] : memref<16384xi32, #tpu.memory_space<hbm>> -> memref<256xi32, #tpu.memory_space<hbm>>
      tpu.enqueue_dma source(%dma_start3A_66 : memref<256xi32, #tpu.memory_space<hbm>>) target(%arg9 : memref<256xi32, #tpu.memory_space<vmem>>) target_semaphore(%run_scoped3A : memref<!tpu.dma_semaphore, #tpu.memory_space<semaphore_mem>>)
      %dma_wait3A_67 = tpu.memref_slice %arg4[%add3A_4] : memref<16384xi32, #tpu.memory_space<hbm>> -> memref<256xi32, #tpu.memory_space<hbm>>
      %dma_wait3A_68 = tpu.memref_slice %arg4[%add3A_4] : memref<16384xi32, #tpu.memory_space<hbm>> -> memref<256xi32, #tpu.memory_space<hbm>>
      tpu.wait_dma2 semaphore(%run_scoped3A : memref<!tpu.dma_semaphore, #tpu.memory_space<semaphore_mem>>) src(%dma_wait3A_68 : memref<256xi32, #tpu.memory_space<hbm>>) dst(%arg9 : memref<256xi32, #tpu.memory_space<vmem>>)
      tpu.yield
    }) : () -> ()
    "tpu.region"() ({
      %run_scoped3A = tpu.sem_alloc : memref<!tpu.dma_semaphore, #tpu.memory_space<semaphore_mem>>
      %dma_start3A_65 = tpu.memref_slice %arg5[%mul3A_2] : memref<16384xi32, #tpu.memory_space<hbm>> -> memref<256xi32, #tpu.memory_space<hbm>>
      %dma_start3A_66 = tpu.memref_slice %arg5[%mul3A_2] : memref<16384xi32, #tpu.memory_space<hbm>> -> memref<256xi32, #tpu.memory_space<hbm>>
      tpu.enqueue_dma source(%dma_start3A_66 : memref<256xi32, #tpu.memory_space<hbm>>) target(%arg10 : memref<256xi32, #tpu.memory_space<vmem>>) target_semaphore(%run_scoped3A : memref<!tpu.dma_semaphore, #tpu.memory_space<semaphore_mem>>)
      %dma_wait3A_67 = tpu.memref_slice %arg5[%mul3A_2] : memref<16384xi32, #tpu.memory_space<hbm>> -> memref<256xi32, #tpu.memory_space<hbm>>
      %dma_wait3A_68 = tpu.memref_slice %arg5[%mul3A_2] : memref<16384xi32, #tpu.memory_space<hbm>> -> memref<256xi32, #tpu.memory_space<hbm>>
      tpu.wait_dma2 semaphore(%run_scoped3A : memref<!tpu.dma_semaphore, #tpu.memory_space<semaphore_mem>>) src(%dma_wait3A_68 : memref<256xi32, #tpu.memory_space<hbm>>) dst(%arg10 : memref<256xi32, #tpu.memory_space<vmem>>)
      tpu.yield
    }) : () -> ()
    %add3A_5 = arith.constant 256 : i32
    %add3A_6 = arith.addi %mul3A_2, %add3A_5 : i32
    "tpu.region"() ({
      %run_scoped3A = tpu.sem_alloc : memref<!tpu.dma_semaphore, #tpu.memory_space<semaphore_mem>>
      %dma_start3A_65 = tpu.memref_slice %arg5[%add3A_6] : memref<16384xi32, #tpu.memory_space<hbm>> -> memref<256xi32, #tpu.memory_space<hbm>>
      %dma_start3A_66 = tpu.memref_slice %arg5[%add3A_6] : memref<16384xi32, #tpu.memory_space<hbm>> -> memref<256xi32, #tpu.memory_space<hbm>>
      tpu.enqueue_dma source(%dma_start3A_66 : memref<256xi32, #tpu.memory_space<hbm>>) target(%arg11 : memref<256xi32, #tpu.memory_space<vmem>>) target_semaphore(%run_scoped3A : memref<!tpu.dma_semaphore, #tpu.memory_space<semaphore_mem>>)
      %dma_wait3A_67 = tpu.memref_slice %arg5[%add3A_6] : memref<16384xi32, #tpu.memory_space<hbm>> -> memref<256xi32, #tpu.memory_space<hbm>>
      %dma_wait3A_68 = tpu.memref_slice %arg5[%add3A_6] : memref<16384xi32, #tpu.memory_space<hbm>> -> memref<256xi32, #tpu.memory_space<hbm>>
      tpu.wait_dma2 semaphore(%run_scoped3A : memref<!tpu.dma_semaphore, #tpu.memory_space<semaphore_mem>>) src(%dma_wait3A_68 : memref<256xi32, #tpu.memory_space<hbm>>) dst(%arg11 : memref<256xi32, #tpu.memory_space<vmem>>)
      tpu.yield
    }) : () -> ()
    %dma_start3A = arith.constant 0 : i32
    %dma_start3A_7 = arith.constant 0 : i32
    %dma_start3A_8 = tpu.memref_slice %arg2[%dma_start3A, %dma_start3A_7] : memref<100000x128xf32, #tpu.memory_space<hbm>> -> memref<100000x128xf32, #tpu.memory_space<hbm>>
    tpu.enqueue_indirect_dma source(%dma_start3A_8 : memref<100000x128xf32, #tpu.memory_space<hbm>>) target(%arg12 : memref<256x128xf32, #tpu.memory_space<vmem>>) offsets(%arg8 : memref<256xi32, #tpu.memory_space<vmem>>) semaphore(%arg14 : memref<!tpu.dma_semaphore, #tpu.memory_space<semaphore_mem>>)
    %dma_wait3A = arith.constant 0 : i32
    %dma_wait3A_9 = arith.constant 0 : i32
    %dma_wait3A_10 = tpu.memref_slice %arg2[%dma_wait3A, %dma_wait3A_9] : memref<100000x128xf32, #tpu.memory_space<hbm>> -> memref<100000x128xf32, #tpu.memory_space<hbm>>
    tpu.wait_indirect_dma semaphore(%arg14 : memref<!tpu.dma_semaphore, #tpu.memory_space<semaphore_mem>>) src(%dma_wait3A_10 : memref<100000x128xf32, #tpu.memory_space<hbm>>) dst(%arg12 : memref<256x128xf32, #tpu.memory_space<vmem>>)
    %dma_start3A_11 = arith.constant 0 : i32
    %dma_start3A_12 = tpu.memref_slice %arg6[%mul3A_2, %dma_start3A_11] : memref<16384x128xf32, #tpu.memory_space<hbm>> -> memref<256x128xf32, #tpu.memory_space<hbm>>
    %dma_start3A_13 = arith.constant 0 : i32
    %dma_start3A_14 = tpu.memref_slice %arg6[%mul3A_2, %dma_start3A_13] : memref<16384x128xf32, #tpu.memory_space<hbm>> -> memref<256x128xf32, #tpu.memory_space<hbm>>
    tpu.enqueue_dma source(%arg12 : memref<256x128xf32, #tpu.memory_space<vmem>>) target(%dma_start3A_14 : memref<256x128xf32, #tpu.memory_space<hbm>>) target_semaphore(%arg15 : memref<!tpu.dma_semaphore, #tpu.memory_space<semaphore_mem>>)
    %dma_start3A_15 = arith.constant 0 : i32
    %dma_start3A_16 = arith.constant 0 : i32
    %dma_start3A_17 = tpu.memref_slice %arg2[%dma_start3A_15, %dma_start3A_16] : memref<100000x128xf32, #tpu.memory_space<hbm>> -> memref<100000x128xf32, #tpu.memory_space<hbm>>
    tpu.enqueue_indirect_dma source(%dma_start3A_17 : memref<100000x128xf32, #tpu.memory_space<hbm>>) target(%arg13 : memref<256x128xf32, #tpu.memory_space<vmem>>) offsets(%arg9 : memref<256xi32, #tpu.memory_space<vmem>>) semaphore(%arg14 : memref<!tpu.dma_semaphore, #tpu.memory_space<semaphore_mem>>)
    %dma_wait3A_18 = arith.constant 0 : i32
    %dma_wait3A_19 = arith.constant 0 : i32
    %dma_wait3A_20 = tpu.memref_slice %arg2[%dma_wait3A_18, %dma_wait3A_19] : memref<100000x128xf32, #tpu.memory_space<hbm>> -> memref<100000x128xf32, #tpu.memory_space<hbm>>
    tpu.wait_indirect_dma semaphore(%arg14 : memref<!tpu.dma_semaphore, #tpu.memory_space<semaphore_mem>>) src(%dma_wait3A_20 : memref<100000x128xf32, #tpu.memory_space<hbm>>) dst(%arg13 : memref<256x128xf32, #tpu.memory_space<vmem>>)
    %add3A_21 = arith.constant 256 : i32
    %add3A_22 = arith.addi %mul3A_2, %add3A_21 : i32
    %dma_start3A_23 = arith.constant 0 : i32
    %dma_start3A_24 = tpu.memref_slice %arg6[%add3A_22, %dma_start3A_23] : memref<16384x128xf32, #tpu.memory_space<hbm>> -> memref<256x128xf32, #tpu.memory_space<hbm>>
    %dma_start3A_25 = arith.constant 0 : i32
    %dma_start3A_26 = tpu.memref_slice %arg6[%add3A_22, %dma_start3A_25] : memref<16384x128xf32, #tpu.memory_space<hbm>> -> memref<256x128xf32, #tpu.memory_space<hbm>>
    tpu.enqueue_dma source(%arg13 : memref<256x128xf32, #tpu.memory_space<vmem>>) target(%dma_start3A_26 : memref<256x128xf32, #tpu.memory_space<hbm>>) target_semaphore(%arg16 : memref<!tpu.dma_semaphore, #tpu.memory_space<semaphore_mem>>)
    %dma_wait3A_27 = arith.constant 0 : i32
    %dma_wait3A_28 = tpu.memref_slice %arg6[%mul3A_2, %dma_wait3A_27] : memref<16384x128xf32, #tpu.memory_space<hbm>> -> memref<256x128xf32, #tpu.memory_space<hbm>>
    %dma_wait3A_29 = arith.constant 0 : i32
    %dma_wait3A_30 = tpu.memref_slice %arg6[%mul3A_2, %dma_wait3A_29] : memref<16384x128xf32, #tpu.memory_space<hbm>> -> memref<256x128xf32, #tpu.memory_space<hbm>>
    tpu.wait_dma2 semaphore(%arg15 : memref<!tpu.dma_semaphore, #tpu.memory_space<semaphore_mem>>) src(%arg12 : memref<256x128xf32, #tpu.memory_space<vmem>>) dst(%dma_wait3A_30 : memref<256x128xf32, #tpu.memory_space<hbm>>)
    %dma_start3A_31 = arith.constant 0 : i32
    %dma_start3A_32 = arith.constant 0 : i32
    %dma_start3A_33 = tpu.memref_slice %arg3[%dma_start3A_31, %dma_start3A_32] : memref<100000x128xf32, #tpu.memory_space<hbm>> -> memref<100000x128xf32, #tpu.memory_space<hbm>>
    tpu.enqueue_indirect_dma source(%dma_start3A_33 : memref<100000x128xf32, #tpu.memory_space<hbm>>) target(%arg12 : memref<256x128xf32, #tpu.memory_space<vmem>>) offsets(%arg10 : memref<256xi32, #tpu.memory_space<vmem>>) semaphore(%arg14 : memref<!tpu.dma_semaphore, #tpu.memory_space<semaphore_mem>>)
    %dma_wait3A_34 = arith.constant 0 : i32
    %dma_wait3A_35 = arith.constant 0 : i32
    %dma_wait3A_36 = tpu.memref_slice %arg3[%dma_wait3A_34, %dma_wait3A_35] : memref<100000x128xf32, #tpu.memory_space<hbm>> -> memref<100000x128xf32, #tpu.memory_space<hbm>>
    tpu.wait_indirect_dma semaphore(%arg14 : memref<!tpu.dma_semaphore, #tpu.memory_space<semaphore_mem>>) src(%dma_wait3A_36 : memref<100000x128xf32, #tpu.memory_space<hbm>>) dst(%arg12 : memref<256x128xf32, #tpu.memory_space<vmem>>)
    %dma_start3A_37 = arith.constant 0 : i32
    %dma_start3A_38 = tpu.memref_slice %arg7[%mul3A_2, %dma_start3A_37] : memref<16384x128xf32, #tpu.memory_space<hbm>> -> memref<256x128xf32, #tpu.memory_space<hbm>>
    %dma_start3A_39 = arith.constant 0 : i32
    %dma_start3A_40 = tpu.memref_slice %arg7[%mul3A_2, %dma_start3A_39] : memref<16384x128xf32, #tpu.memory_space<hbm>> -> memref<256x128xf32, #tpu.memory_space<hbm>>
    tpu.enqueue_dma source(%arg12 : memref<256x128xf32, #tpu.memory_space<vmem>>) target(%dma_start3A_40 : memref<256x128xf32, #tpu.memory_space<hbm>>) target_semaphore(%arg15 : memref<!tpu.dma_semaphore, #tpu.memory_space<semaphore_mem>>)
    %dma_wait3A_41 = arith.constant 0 : i32
    %dma_wait3A_42 = tpu.memref_slice %arg6[%add3A_22, %dma_wait3A_41] : memref<16384x128xf32, #tpu.memory_space<hbm>> -> memref<256x128xf32, #tpu.memory_space<hbm>>
    %dma_wait3A_43 = arith.constant 0 : i32
    %dma_wait3A_44 = tpu.memref_slice %arg6[%add3A_22, %dma_wait3A_43] : memref<16384x128xf32, #tpu.memory_space<hbm>> -> memref<256x128xf32, #tpu.memory_space<hbm>>
    tpu.wait_dma2 semaphore(%arg16 : memref<!tpu.dma_semaphore, #tpu.memory_space<semaphore_mem>>) src(%arg13 : memref<256x128xf32, #tpu.memory_space<vmem>>) dst(%dma_wait3A_44 : memref<256x128xf32, #tpu.memory_space<hbm>>)
    %dma_start3A_45 = arith.constant 0 : i32
    %dma_start3A_46 = arith.constant 0 : i32
    %dma_start3A_47 = tpu.memref_slice %arg3[%dma_start3A_45, %dma_start3A_46] : memref<100000x128xf32, #tpu.memory_space<hbm>> -> memref<100000x128xf32, #tpu.memory_space<hbm>>
    tpu.enqueue_indirect_dma source(%dma_start3A_47 : memref<100000x128xf32, #tpu.memory_space<hbm>>) target(%arg13 : memref<256x128xf32, #tpu.memory_space<vmem>>) offsets(%arg11 : memref<256xi32, #tpu.memory_space<vmem>>) semaphore(%arg14 : memref<!tpu.dma_semaphore, #tpu.memory_space<semaphore_mem>>)
    %dma_wait3A_48 = arith.constant 0 : i32
    %dma_wait3A_49 = arith.constant 0 : i32
    %dma_wait3A_50 = tpu.memref_slice %arg3[%dma_wait3A_48, %dma_wait3A_49] : memref<100000x128xf32, #tpu.memory_space<hbm>> -> memref<100000x128xf32, #tpu.memory_space<hbm>>
    tpu.wait_indirect_dma semaphore(%arg14 : memref<!tpu.dma_semaphore, #tpu.memory_space<semaphore_mem>>) src(%dma_wait3A_50 : memref<100000x128xf32, #tpu.memory_space<hbm>>) dst(%arg13 : memref<256x128xf32, #tpu.memory_space<vmem>>)
    %add3A_51 = arith.constant 256 : i32
    %add3A_52 = arith.addi %mul3A_2, %add3A_51 : i32
    %dma_start3A_53 = arith.constant 0 : i32
    %dma_start3A_54 = tpu.memref_slice %arg7[%add3A_52, %dma_start3A_53] : memref<16384x128xf32, #tpu.memory_space<hbm>> -> memref<256x128xf32, #tpu.memory_space<hbm>>
    %dma_start3A_55 = arith.constant 0 : i32
    %dma_start3A_56 = tpu.memref_slice %arg7[%add3A_52, %dma_start3A_55] : memref<16384x128xf32, #tpu.memory_space<hbm>> -> memref<256x128xf32, #tpu.memory_space<hbm>>
    tpu.enqueue_dma source(%arg13 : memref<256x128xf32, #tpu.memory_space<vmem>>) target(%dma_start3A_56 : memref<256x128xf32, #tpu.memory_space<hbm>>) target_semaphore(%arg16 : memref<!tpu.dma_semaphore, #tpu.memory_space<semaphore_mem>>)
    %dma_wait3A_57 = arith.constant 0 : i32
    %dma_wait3A_58 = tpu.memref_slice %arg7[%mul3A_2, %dma_wait3A_57] : memref<16384x128xf32, #tpu.memory_space<hbm>> -> memref<256x128xf32, #tpu.memory_space<hbm>>
    %dma_wait3A_59 = arith.constant 0 : i32
    %dma_wait3A_60 = tpu.memref_slice %arg7[%mul3A_2, %dma_wait3A_59] : memref<16384x128xf32, #tpu.memory_space<hbm>> -> memref<256x128xf32, #tpu.memory_space<hbm>>
    tpu.wait_dma2 semaphore(%arg15 : memref<!tpu.dma_semaphore, #tpu.memory_space<semaphore_mem>>) src(%arg12 : memref<256x128xf32, #tpu.memory_space<vmem>>) dst(%dma_wait3A_60 : memref<256x128xf32, #tpu.memory_space<hbm>>)
    %dma_wait3A_61 = arith.constant 0 : i32
    %dma_wait3A_62 = tpu.memref_slice %arg7[%add3A_52, %dma_wait3A_61] : memref<16384x128xf32, #tpu.memory_space<hbm>> -> memref<256x128xf32, #tpu.memory_space<hbm>>
    %dma_wait3A_63 = arith.constant 0 : i32
    %dma_wait3A_64 = tpu.memref_slice %arg7[%add3A_52, %dma_wait3A_63] : memref<16384x128xf32, #tpu.memory_space<hbm>> -> memref<256x128xf32, #tpu.memory_space<hbm>>
    tpu.wait_dma2 semaphore(%arg16 : memref<!tpu.dma_semaphore, #tpu.memory_space<semaphore_mem>>) src(%arg13 : memref<256x128xf32, #tpu.memory_space<vmem>>) dst(%dma_wait3A_64 : memref<256x128xf32, #tpu.memory_space<hbm>>)
    return
  }
}

</mosaic_0001>

<sc_bundles>
// kernel: kernel.3.cloned.1.call-start
scs
__scs_entry_jumppad:
0x0: {  	(pc) =	sbr.rel $0x88, $3  }
0x1: {  	(tag) =	ssettag $0x0;
	lr =	simm.s32 $0x1  }
0x2: {  	[smem:$0x3F9D] =	sst lr;
	_ =	strace $0xD0000000  }
0x3: {  	_ = 	snop  }
0x4: {  	_ = 	snop  }
0x5: {  	_ = 	snop  }
0x6: {  	_ = 	snop  }
0x7: {  	_ = 	snop  }
__scs_overlays_trampoline_lowered:
0x8: {  	[smem:$0x3FAC] =	sst s0  }
0x9: {  	[smem:$0x3FAD] =	sst s1  }
0xa: {  	[smem:$0x3FAE] =	sst s2  }
0xb: {  	[smem:$0x3FAF] =	sst s3  }
0xc: {  	[smem:$0x3FB0] =	sst s4  }
0xd: {  	[smem:$0x3FB1] =	sst s5  }
0xe: {  	[smem:$0x3FB2] =	sst s6  }
0xf: {  	[smem:$0x3FB3] =	sst s7  }
0x10: {  	[smem:$0x3FB4] =	sst s8  }
0x11: {  	[smem:$0x3FB5] =	sst s9;
	s0 =	simm.s32 @!p0 $0x0  }
0x12: {  	s1 =	sld [smem:$0x3F9B];
	s0 =	simm.s32 @p0 $0x1  }
0x13: {  	[smem:$0x3FB6] =	sst s0;
	s0 =	simm.s32 @!p1 $0x0  }
0x14: {  	s2 =	sld [smem:$0x3F9A];
	s0 =	simm.s32 @p1 $0x1  }
0x15: {  	[smem:$0x3FB7] =	sst s0;
	s0 =	simm.s32 @!p2 $0x0  }
0x16: {  	s3 =	sld [smem:$0x3FDB];
	s0 =	simm.s32 @p2 $0x1  }
0x17: {  	s4 =	simm.s32 $0x1BF5;
	[smem:$0x3FB9] =	sst s0  }
0x18: {  	s0 =	sld [smem:$0x3F9C];
	_ =	swait.ge [sflag:s4], $0x0  }
0x19: {  	s7 =	sld [smem:$0x3F9D]  }
0x1a: {  	s8 =	sadd.s32 $0xFFFFE003, lr  }
0x1b: {  	s9 =	sadd.s32 $0xFFFFFEF7, lr;
	s5 =	simm.s32 $0xFFFFFFFF;
	p2 =	slt.u32 s8, $0xFFFFF086  }
0x1c: {  	p1 =	slt.u32 s9, $0xF7A;
	s5 =	simm.s32 @!p2 $0x0  }
0x1d: {  	s5 =	simm.s32 @p1 $0x1;
	p0 =	seq.s32 s7, s2  }
0x1e: {  	s7 =	smul.u32 @!p0 $0xF7A, s2;
	p2 =	seq.s32 @!p0 s5, $0x0  }
0x1f: {  	s9 =	smul.u32 $0xF7A, s1;
	s8 =	simm.s32 @!p0 $0x1BF5;
	p2 =	por !p2, p0  }
0x20: {  	[sflag:s8] =	ssyncset.s32 @!p0 $0xFFFFF086;
	s6 =	sadd.s32 @!p0 s3, s7;
	s7 =	simm.s32 @!p0 $0x108  }
0x21: {  	s3 =	sadd.s32 s3, s9;
	s6 =	sadd.s32 @!p0 $0x88, s6;
	s7 =	simm.s32 @p2 $0x1082  }
0x22: {  	[simem:s7], [sflag:s8] =	dma.local @!p0 [hbm:s6], $0xF7A  }
0x23: {  	s9 =	sor.u32 $0xD0000000, s2;
	s6 =	simm.s32 $0x108;
	_ =	swait.ge @!p0 [sflag:s8], $0x0  }
0x24: {  	s3 =	sadd.s32 $0x88, s3;
	s6 =	simm.s32 @!p1 $0x1082;
	[sflag:s4] =	ssyncset.s32 $0xFFFFF086  }
0x25: {  	[simem:s6], [sflag:s4] =	dma.local [hbm:s3], $0xF7A  }
0x26: {  	[smem:$0x3F9D] =	sst s1;
	(tag) =	ssettag s2;
	_ =	strace s9  }
0x27: {  	s1 =	sld [smem:$0x3FAD]  }
0x28: {  	s2 =	sld [smem:$0x3FAE]  }
0x29: {  	s4 =	sld [smem:$0x3FB0]  }
0x2a: {  	p0 =	seq.s32 s5, $0x0;
	s5 =	sld [smem:$0x3FB1]  }
0x2b: {  	s6 =	sld [smem:$0x3FB2]  }
0x2c: {  	s7 =	sld [smem:$0x3FB3]  }
0x2d: {  	s3 =	simm.s32 $0x108;
	s8 =	sld [smem:$0x3FB4]  }
0x2e: {  	s3 =	simm.s32 @!p0 $0x1082;
	s9 =	sld [smem:$0x3FB5]  }
0x2f: {  	lr =	sadd.s32 s0, s3;
	s0 =	sld [smem:$0x3FAC]  }
0x30: {  	s3 =	sld [smem:$0x3FAF]  }
0x31: {  	[smem:$0x3FB8] =	sst s10  }
0x32: {  	s10 =	sld [smem:$0x3FB6];
	_ =	sdelay $0x3  }
0x33: {  	p0 =	seq.s32 s10, $0x1;
	s10 =	sld [smem:$0x3FB8];
	_ =	sdelay $0x3  }
0x34: {  	[smem:$0x3FB8] =	sst s10  }
0x35: {  	s10 =	sld [smem:$0x3FB7];
	_ =	sdelay $0x3  }
0x36: {  	p1 =	seq.s32 s10, $0x1;
	s10 =	sld [smem:$0x3FB8];
	_ =	sdelay $0x3  }
0x37: {  	[smem:$0x3FB8] =	sst s10  }
0x38: {  	s10 =	sld [smem:$0x3FB9]  }
0x39: {  	_ = 	snop;
	(pc) =	sbr.ind lr, $3  }
0x3a: {  	_ = 	snop  }
0x3b: {  	_ = 	snop  }
0x3c: {  	p2 =	seq.s32 s10, $0x1;
	s10 =	sld [smem:$0x3FB8]  }
0x3d: {  	_ =	shalt  }
0x3e: {  	_ =	shalt  }
0x3f: {  	_ =	shalt  }
0x40: {  	_ =	shalt  }
0x41: {  	_ =	shalt  }
0x42: {  	_ =	shalt  }
0x43: {  	_ =	shalt  }
0x44: {  	_ =	shalt  }
0x45: {  	_ =	shalt  }
0x46: {  	_ =	shalt  }
0x47: {  	_ =	shalt  }
0x48: {  	_ =	shalt  }
0x49: {  	_ =	shalt  }
0x4a: {  	_ =	shalt  }
0x4b: {  	_ =	shalt  }
0x4c: {  	_ =	shalt  }
0x4d: {  	_ =	shalt  }
0x4e: {  	_ =	shalt  }
0x4f: {  	_ =	shalt  }
0x50: {  	_ =	shalt  }
0x51: {  	_ =	shalt  }
0x52: {  	_ =	shalt  }
0x53: {  	_ =	shalt  }
0x54: {  	_ =	shalt  }
0x55: {  	_ =	shalt  }
0x56: {  	_ =	shalt  }
0x57: {  	_ =	shalt  }
0x58: {  	_ =	shalt  }
0x59: {  	_ =	shalt  }
0x5a: {  	_ =	shalt  }
0x5b: {  	_ =	shalt  }
0x5c: {  	_ =	shalt  }
0x5d: {  	_ =	shalt  }
0x5e: {  	_ =	shalt  }
0x5f: {  	_ =	shalt  }
0x60: {  	_ =	shalt  }
0x61: {  	_ =	shalt  }
0x62: {  	_ =	shalt  }
0x63: {  	_ =	shalt  }
0x64: {  	_ =	shalt  }
0x65: {  	_ =	shalt  }
0x66: {  	_ =	shalt  }
0x67: {  	_ =	shalt  }
0x68: {  	_ =	shalt  }
0x69: {  	_ =	shalt  }
0x6a: {  	_ =	shalt  }
0x6b: {  	_ =	shalt  }
0x6c: {  	_ =	shalt  }
0x6d: {  	_ =	shalt  }
0x6e: {  	_ =	shalt  }
0x6f: {  	_ =	shalt  }
0x70: {  	_ =	shalt  }
0x71: {  	_ =	shalt  }
0x72: {  	_ =	shalt  }
0x73: {  	_ =	shalt  }
0x74: {  	_ =	shalt  }
0x75: {  	_ =	shalt  }
0x76: {  	_ =	shalt  }
0x77: {  	_ =	shalt  }
0x78: {  	_ =	shalt  }
0x79: {  	_ =	shalt  }
0x7a: {  	_ =	shalt  }
0x7b: {  	_ =	shalt  }
0x7c: {  	_ =	shalt  }
0x7d: {  	_ =	shalt  }
0x7e: {  	_ =	shalt  }
0x7f: {  	_ =	shalt  }
0x80: {  	_ =	shalt  }
0x81: {  	_ =	shalt  }
0x82: {  	_ =	shalt  }
0x83: {  	_ =	shalt  }
0x84: {  	_ =	shalt  }
0x85: {  	_ =	shalt  }
0x86: {  	_ =	shalt  }
0x87: {  	_ =	shalt  }
.Lfunc_end0:
.L_simem_size_0:
called_computation_lowered:
.L_overlay_start_0:
0x88: {  	s2 =	sld [smem:$0x3FD9]  }
0x89: {  	s3 =	sld [smem:$0x3FFE];
	_ =	sdelay $0x1  }
0x8a: {  	s1 =	srdreg.scid  }
0x8b: {  	s0 =	sand.u32 $0x1, s1  }
0x8c: {  	s17 =	sshll.u32 s0, $0xA;
	s2 =	sadd.s32 s3, s2  }
0x8d: {  	s2 =	sadd.s32 s2, s17  }
0x8e: {  	[smem:$0x3FC4] =	sst s2  }
0x8f: {  	_ = 	snop  }
0x90: {  	s2 =	sld [smem:$0x3FC9]  }
0x91: {  	s18 =	sld [smem:$0x3FC8]  }
0x92: {  	s4 =	sld [smem:$0x3FC7]  }
0x93: {  	s5 =	sld [smem:$0x3FC6]  }
0x94: {  	s6 =	sld [smem:$0x3FD0];
	(tm) =	ssettm $0x1  }
0x95: {  	s7 =	sld [smem:$0x3FFB];
	_ =	sdelay $0x3  }
0x96: {  	_ =	strace s7  }
0x97: {  	s7 =	sld [smem:$0x3FFC];
	_ =	sdelay $0x3  }
0x98: {  	_ =	strace s7  }
0x99: {  	s7 =	sld [smem:$0x3FFD];
	_ =	sdelay $0x3  }
0x9a: {  	_ =	strace s7  }
0x9b: {  	_ =	strace $0x8FFFFFFF  }
0x9c: {  	s19 =	sld [smem:$0x3FDB];
	_ =	sdelay $0x1  }
0x9d: {  	s8 =	simm.s32 $_scs_section_size  }
0x9e: {  	s9 =	simm.s32 $_size__tile_overlayer_lowered;
	s10 =	simm.s32 $_tile_overlayer_lowered  }
0x9f: {  	s22 =	simm.s32 $0x1BFF;
	s21 =	sshll.u32 s10, $0x1;
	s7 =	sadd.s32 s8, s19  }
0xa0: {  	s11 =	simm.s32 $0x0;
	s20 =	sshll.u32 s9, $0x1;
	s9 =	sadd.s32 s21, s7  }
0xa1: {  	[timem:s11], [sflag:s22] =	dma.local [hbm:s9], s20  }
0xa2: {  	_ =	swait.ge [sflag:s22], s20  }
0xa3: {  	s8 =	ssub.s32 $0x0, s20;
	[sflag:s22] =	ssyncset.done $0x0  }
0xa4: {  	[sflag:s22] =	ssyncadd.s32 s8;
	_ =	sdelay $0x1  }
0xa5: {  	s23 =	simm.s32 $0x1B8B  }
0xa6: {  	_ =	swait.ge [sflag:s23], $0x1  }
0xa7: {  	[sflag:s23] =	ssyncset.done $0x0  }
0xa8: {  	s25 =	simm.s32 $0x1B8E;
	s24 =	sld [smem:$0x3FFE];
	[sflag:s23] =	ssyncadd.s32 $0xFFFFFFFF  }
0xa9: {  	s26 =	simm.s32 $execute0_lowered;
	[smem:$0x3FD2] =	sst s25  }
0xaa: {  	s9 =	sshll.u32 s26, $0x1;
	_ =	strace $0x80000046;
	[dreg:$0x1] =	wrdreg $0xFFFFFFFF  }
0xab: {  	s28 =	simm.s32 $_size_execute0_lowered;
	s7 =	sadd.s32 s7, s9;
	[dreg:$0x0] =	wrdreg $0x0  }
0xac: {  	s9 =	sshll.u32 s28, $0x1;
	[dreg:$0x2] =	wrdreg s7  }
0xad: {  	[dreg:$0x3] =	wrdreg s9  }
0xae: {  	[dreg:$0x4] =	wrdreg $0xC0  }
0xaf: {  	_ =	task [dreg:s11], $0x5FFFF  }
0xb0: {  	[dreg:$0x1] =	wrdreg $0xFFFFFFFF  }
0xb1: {  	[dreg:$0x0] =	wrdreg $0x60  }
0xb2: {  	[dreg:$0x2] =	wrdreg s4  }
0xb3: {  	[dreg:$0x3] =	wrdreg s5  }
0xb4: {  	[dreg:$0x4] =	wrdreg s2  }
0xb5: {  	[dreg:$0x5] =	wrdreg s18  }
0xb6: {  	[dreg:$0x6] =	wrdreg s6  }
0xb7: {  	[dreg:$0x7] =	wrdreg s24  }
0xb8: {  	[dreg:$0x8] =	wrdreg $0x9  }
0xb9: {  	_ =	task.clear_ibuf [dreg:s11], $0x9FFFF;
	_ =	strace $0x90000046  }
0xba: {  	s29 =	simm.s32 $0x9;
	_ =	strace $0x80000048  }
0xbb: {  	_ =	swait.ge [sflag:s29], $0x1  }
0xbc: {  	[sflag:s29] =	ssyncadd.s32 $0xFFFFFFFF  }
0xbd: {  	_ =	strace $0x90000048  }
0xbe: {  	_ =	sfence  }
0xbf: {  	s30 =	sld [smem:$0x0];
	_ =	sdelay $0x2  }
0xc0: {  	s31 =	sshll.u32 s1, $0xD;
	s1 =	sshrl.u32 s1, $0x2  }
0xc1: {  	s3 =	sand.u32 $0x4000, s31;
	s1 =	sadd.s32 s1, s30  }
0xc2: {  	s0 =	sor.u32 s3, s0;
	s1 =	sshll.u32 s1, $0x11  }
0xc3: {  	s0 =	sor.u32 s1, s0  }
0xc4: {  	s0 =	sadd.s32 $0x8F2B, s0  }
0xc5: {  	[sflag:s0] =	ssyncadd.remote.s32 $0x1  }
0xc6: {  	_ =	sfence.sel $0xFFFF  }
0xc7: {  	[dreg:$0x0] =	wrdreg $0xFFFFFFFF;
	(pc) =	sbr.abs _section_cstart, $3  }
0xc8: {  	[dreg:$0x1] =	wrdreg $0xFFFFFFFF  }
0xc9: {  	_ =	task.clear_ibuf [dreg:s11], $0x2FFFF;
	_ =	strace $0x9FFFFFFF  }
0xca: {  	(tm) =	ssettm $0x7FFFFFFF  }
0xcb: {  	_ =	shalt  }
tec
execute0_lowered:
.L_overlay_start_1:
0x0: {  	(tag) =	ssettag $0x1  }
0x1: {  	s0 =	rddreg [dreg:$0x0]  }
0x2: {  	s2 =	rddreg [dreg:$0x1]  }
0x3: {  	s7 =	rddreg [dreg:$0x2]  }
0x4: {  	s11 =	rddreg [dreg:$0x3];
	s3 =	srdreg.scid  }
0x5: {  	s17 =	rddreg [dreg:$0x4];
	s1 =	stileid.u32;
	s21 =	sand.u32 $0x1, s3  }
0x6: {  	s19 =	rddreg [dreg:$0x5];
	s5 =	sshll.u32 s1, $0xA;
	s6 =	sshll.u32 s21, $0x9  }
0x7: {  	s4 =	simm.s32 $0x0;
	s3 =	rddreg [dreg:$0x6];
	s15 =	sor.u32 s6, s5  }
0x8: {  	[smem:$0x7FF] =	sst s4;
	s9 =	sshrl.u32 s15, $0x3  }
0x9: {  	_ =	strace $0x80000047;
	s6 =	simm.s32 $0x4;
	s5 =	sadd.s32 s7, s9  }
0xa: {  	[tilespmem:s4], [sflag:$0x4] =	stream.linear.gather [hbm4b:s5+s4], $0x100, $0x38;
	[tilespmem:$0x10400] =	vst v63  }
0xb: {  	s18 =	sor.u32 $0x100, s15;
	_ =	swait.ge [sflag:s6], $0x100  }
0xc: {  	s12 =	sshrl.u32 s18, $0x3;
	[sflag:s6] =	ssyncset.done $0x0  }
0xd: {  	s8 =	simm.s32 $0x100;
	s7 =	sadd.s32 s7, s12;
	[sflag:s6] =	ssyncadd.s32 $0xFFFFFF00  }
0xe: {  	[tilespmem:s8], [sflag:$0x4] =	stream.linear.gather [hbm4b:s7+s4], $0x100, $0x38;
	[tilespmem:$0x10400] =	vst v63  }
0xf: {  	_ =	swait.ge [sflag:s6], $0x100  }
0x10: {  	[sflag:s6] =	ssyncset.done $0x0  }
0x11: {  	s10 =	simm.s32 $0x200;
	s9 =	sadd.s32 s11, s9;
	[sflag:s6] =	ssyncadd.s32 $0xFFFFFF00  }
0x12: {  	[tilespmem:s10], [sflag:$0x4] =	stream.linear.gather [hbm4b:s9+s4], $0x100, $0x38;
	[tilespmem:$0x10400] =	vst v63  }
0x13: {  	_ =	swait.ge [sflag:s6], $0x100  }
0x14: {  	[sflag:s6] =	ssyncset.done $0x0  }
0x15: {  	s11 =	sadd.s32 s11, s12;
	s12 =	simm.s32 $0x300;
	[sflag:s6] =	ssyncadd.s32 $0xFFFFFF00  }
0x16: {  	[tilespmem:s12], [sflag:$0x4] =	stream.linear.gather [hbm4b:s11+s4], $0x100, $0x38;
	[tilespmem:$0x10400] =	vst v63  }
0x17: {  	_ =	swait.ge [sflag:s6], $0x100  }
0x18: {  	[sflag:s6] =	ssyncset.done $0x0  }
0x19: {  	s13 =	simm.s32 $0x400;
	s14 =	simm.s32 $0x1;
	[sflag:s6] =	ssyncadd.s32 $0xFFFFFF00  }
0x1a: {  	[tilespmem:s13], [sflag:$0x1] =	stream.indirect.gather [hbm4b:s0+s8], $0x80, s4, s8, $0xb8;
	[tilespmem:$0x10400] =	vst v63  }
0x1b: {  	_ =	swait.ge [sflag:s14], $0x8000  }
0x1c: {  	s20 =	sshll.u32 s15, $0x4;
	[sflag:s14] =	ssyncset.done $0x0  }
0x1d: {  	s15 =	sadd.s32 s17, s20;
	[sflag:s14] =	ssyncadd.s32 $0xFFFF8000  }
0x1e: {  	[hbm4b:s15+s4] =	stream.linear.scatter [tilespmem:s13], [sflag:$0x2], $0x8000, $0x38;
	[tilespmem:$0x10400] =	vst v63  }
0x1f: {  	s16 =	simm.s32 $0x8400  }
0x20: {  	[tilespmem:s16], [sflag:$0x1] =	stream.indirect.gather [hbm4b:s0+s8], $0x80, s8, s8, $0xb8;
	[tilespmem:$0x10400] =	vst v63  }
0x21: {  	_ =	swait.ge [sflag:s14], $0x8000  }
0x22: {  	s22 =	sshll.u32 s18, $0x4;
	[sflag:s14] =	ssyncset.done $0x0  }
0x23: {  	s18 =	simm.s32 $0x2;
	s17 =	sadd.s32 s17, s22;
	[sflag:s14] =	ssyncadd.s32 $0xFFFF8000  }
0x24: {  	[hbm4b:s17+s4] =	stream.linear.scatter [tilespmem:s16], [sflag:$0x3], $0x8000, $0x38;
	[tilespmem:$0x10400] =	vst v63  }
0x25: {  	_ =	swait.ge [sflag:s18], $0x8000  }
0x26: {  	[sflag:s18] =	ssyncset.done $0x0  }
0x27: {  	[sflag:s18] =	ssyncadd.s32 $0xFFFF8000  }
0x28: {  	[tilespmem:s13], [sflag:$0x1] =	stream.indirect.gather [hbm4b:s2+s8], $0x80, s10, s8, $0xb8;
	[tilespmem:$0x10400] =	vst v63  }
0x29: {  	_ =	swait.ge [sflag:s14], $0x8000  }
0x2a: {  	s23 =	sadd.s32 $0x800, s19;
	[sflag:s14] =	ssyncset.done $0x0  }
0x2b: {  	s19 =	simm.s32 $0x3;
	s20 =	sadd.s32 s23, s20;
	[sflag:s14] =	ssyncadd.s32 $0xFFFF8000  }
0x2c: {  	[hbm4b:s20+s4] =	stream.linear.scatter [tilespmem:s13], [sflag:$0x2], $0x8000, $0x38;
	[tilespmem:$0x10400] =	vst v63  }
0x2d: {  	_ =	swait.ge [sflag:s19], $0x8000  }
0x2e: {  	s24 =	ssub.s32 $0x2, s21;
	[sflag:s19] =	ssyncset.done $0x0  }
0x2f: {  	s31 =	sshrl.u32 s24, $0x1;
	[sflag:s19] =	ssyncadd.s32 $0xFFFF8000  }
0x30: {  	[tilespmem:s16], [sflag:$0x1] =	stream.indirect.gather [hbm4b:s2+s8], $0x80, s12, s8, $0xb8;
	[tilespmem:$0x10400] =	vst v63  }
0x31: {  	s21 =	sadd.s32 s23, s22;
	s22 =	ssub.s32 s24, s31;
	_ =	swait.ge [sflag:s14], $0x8000  }
0x32: {  	s22 =	smax.u32 s22, $0x1;
	[sflag:s14] =	ssyncset.done $0x0  }
0x33: {  	p0 =	sne.s32 s22, $0x1;
	[sflag:s14] =	ssyncadd.s32 $0xFFFF8000  }
0x34: {  	[hbm4b:s21+s4] =	stream.linear.scatter [tilespmem:s16], [sflag:$0x3], $0x8000, $0x38;
	[tilespmem:$0x10400] =	vst v63  }
.Ltmp0:
0x35: {  	_ =	swait.ge [sflag:s18], $0x8000;
	(pc) =	sbr.rel @!p0 .LBB2_2-.Ltmp0, $4  }
0x36: {  	[sflag:s18] =	ssyncset.done $0x0  }
0x37: {  	[sflag:s18] =	ssyncadd.s32 $0xFFFF8000  }
0x38: {  	_ =	swait.ge [sflag:s19], $0x8000  }
0x39: {  	s22 =	sadd.s32 $0xFFFFFFFF, s22;
	[sflag:s19] =	ssyncset.done $0x0  }
.LBB2_1:
0x3a: {  	p0 =	sne.s32 s22, $0x1;
	s22 =	sadd.s32 $0xFFFFFFFF, s22;
	[sflag:s19] =	ssyncadd.s32 $0xFFFF8000  }
0x3b: {  	[tilespmem:s4], [sflag:$0x4] =	stream.linear.gather [hbm4b:s5+s4], $0x100, $0x38;
	[tilespmem:$0x10400] =	vst v63  }
0x3c: {  	_ =	swait.ge [sflag:s6], $0x100  }
0x3d: {  	[sflag:s6] =	ssyncset.done $0x0  }
0x3e: {  	[sflag:s6] =	ssyncadd.s32 $0xFFFFFF00  }
0x3f: {  	[tilespmem:s8], [sflag:$0x4] =	stream.linear.gather [hbm4b:s7+s4], $0x100, $0x38;
	[tilespmem:$0x10400] =	vst v63  }
0x40: {  	_ =	swait.ge [sflag:s6], $0x100  }
0x41: {  	[sflag:s6] =	ssyncset.done $0x0  }
0x42: {  	[sflag:s6] =	ssyncadd.s32 $0xFFFFFF00  }
0x43: {  	[tilespmem:s10], [sflag:$0x4] =	stream.linear.gather [hbm4b:s9+s4], $0x100, $0x38;
	[tilespmem:$0x10400] =	vst v63  }
0x44: {  	_ =	swait.ge [sflag:s6], $0x100  }
0x45: {  	[sflag:s6] =	ssyncset.done $0x0  }
0x46: {  	[sflag:s6] =	ssyncadd.s32 $0xFFFFFF00  }
0x47: {  	[tilespmem:s12], [sflag:$0x4] =	stream.linear.gather [hbm4b:s11+s4], $0x100, $0x38;
	[tilespmem:$0x10400] =	vst v63  }
0x48: {  	_ =	swait.ge [sflag:s6], $0x100  }
0x49: {  	[sflag:s6] =	ssyncset.done $0x0  }
0x4a: {  	[sflag:s6] =	ssyncadd.s32 $0xFFFFFF00  }
0x4b: {  	[tilespmem:s13], [sflag:$0x1] =	stream.indirect.gather [hbm4b:s0+s8], $0x80, s4, s8, $0xb8;
	[tilespmem:$0x10400] =	vst v63  }
0x4c: {  	_ =	swait.ge [sflag:s14], $0x8000  }
0x4d: {  	[sflag:s14] =	ssyncset.done $0x0  }
0x4e: {  	[sflag:s14] =	ssyncadd.s32 $0xFFFF8000  }
0x4f: {  	[hbm4b:s15+s4] =	stream.linear.scatter [tilespmem:s13], [sflag:$0x2], $0x8000, $0x38;
	[tilespmem:$0x10400] =	vst v63  }
0x50: {  	_ = 	snop  }
0x51: {  	[tilespmem:s16], [sflag:$0x1] =	stream.indirect.gather [hbm4b:s0+s8], $0x80, s8, s8, $0xb8;
	[tilespmem:$0x10400] =	vst v63  }
0x52: {  	_ =	swait.ge [sflag:s14], $0x8000  }
0x53: {  	[sflag:s14] =	ssyncset.done $0x0  }
0x54: {  	[sflag:s14] =	ssyncadd.s32 $0xFFFF8000  }
0x55: {  	[hbm4b:s17+s4] =	stream.linear.scatter [tilespmem:s16], [sflag:$0x3], $0x8000, $0x38;
	[tilespmem:$0x10400] =	vst v63  }
0x56: {  	_ =	swait.ge [sflag:s18], $0x8000  }
0x57: {  	[sflag:s18] =	ssyncset.done $0x0  }
0x58: {  	[sflag:s18] =	ssyncadd.s32 $0xFFFF8000  }
0x59: {  	[tilespmem:s13], [sflag:$0x1] =	stream.indirect.gather [hbm4b:s2+s8], $0x80, s10, s8, $0xb8;
	[tilespmem:$0x10400] =	vst v63  }
0x5a: {  	_ =	swait.ge [sflag:s14], $0x8000  }
0x5b: {  	[sflag:s14] =	ssyncset.done $0x0  }
0x5c: {  	[sflag:s14] =	ssyncadd.s32 $0xFFFF8000  }
0x5d: {  	[hbm4b:s20+s4] =	stream.linear.scatter [tilespmem:s13], [sflag:$0x2], $0x8000, $0x38;
	[tilespmem:$0x10400] =	vst v63  }
0x5e: {  	_ =	swait.ge [sflag:s19], $0x8000  }
0x5f: {  	[sflag:s19] =	ssyncset.done $0x0  }
0x60: {  	[sflag:s19] =	ssyncadd.s32 $0xFFFF8000  }
0x61: {  	[tilespmem:s16], [sflag:$0x1] =	stream.indirect.gather [hbm4b:s2+s8], $0x80, s12, s8, $0xb8;
	[tilespmem:$0x10400] =	vst v63  }
0x62: {  	_ =	swait.ge [sflag:s14], $0x8000  }
0x63: {  	[sflag:s14] =	ssyncset.done $0x0  }
0x64: {  	[sflag:s14] =	ssyncadd.s32 $0xFFFF8000  }
0x65: {  	[hbm4b:s21+s4] =	stream.linear.scatter [tilespmem:s16], [sflag:$0x3], $0x8000, $0x38;
	[tilespmem:$0x10400] =	vst v63  }
.Ltmp1:
0x66: {  	_ =	swait.ge [sflag:s18], $0x8000;
	(pc) =	sbr.rel @p0 .LBB2_1-.Ltmp1, $4  }
0x67: {  	[sflag:s18] =	ssyncset.done $0x0  }
0x68: {  	[sflag:s18] =	ssyncadd.s32 $0xFFFF8000  }
0x69: {  	_ =	swait.ge [sflag:s19], $0x8000  }
0x6a: {  	[sflag:s19] =	ssyncset.done $0x0  }
.LBB2_2:
0x6b: {  	[sflag:s19] =	ssyncadd.s32 $0xFFFF8000  }
0x6c: {  	_ =	sfence.sel $0x180000  }
0x6d: {  	[bflag:$0x0] =	sbarrier.arrive $0xFFFF  }
0x6e: {  	p0 =	sne.s32 s1, $0x0;
	_ =	strace $0x90000047  }
0x6f: {  	s0 =	sadd.s32 @!p0 $0x100000, s3;
	[bflag:$0x2] =	sbarrier.arrive $0xFFFF  }
0x70: {  	[sflag:s0] =	ssyncadd.tile.s32 @!p0 $0x1;
	_ =	shalt  }
.Lfunc_end2:
_tile_overlayer_lowered:
.L_overlay_start_2:
0x71: {  	(tag) =	ssettag $0x2  }
0x72: {  	s0 =	rddreg [dreg:$0x0];
	s2 =	stileid.u32  }
0x73: {  	s1 =	rddreg [dreg:$0x1];
	p0 =	sne.s32 s2, $0x0  }
0x74: {  	s3 =	rddreg [dreg:$0x2];
	[bflag:$0x3] =	sbarrier.arrive $0xFFFF;
	s2 =	simm.s32 @!p0 $0x1C04  }
0x75: {  	[timem:s3], [sflag:s2] =	dma.local @!p0 [hbm:s0], s1  }
0x76: {  	s0 =	simm.s32 @!p0 $0x4  }
0x77: {  	_ =	swait.ge @!p0 [sflag:s0], s1  }
0x78: {  	s1 =	ssub.s32 @!p0 $0x0, s1;
	[sflag:s0] =	ssyncset.done @!p0 $0x0  }
0x79: {  	[sflag:s0] =	ssyncadd.s32 @!p0 s1  }
0x7a: {  	[bflag:$0x3] =	sbarrier.arrive $0xFFFF  }
0x7b: {  	_ =	shalt  }

</sc_bundles>
